<compile_context>
chip_gen: v7x
topology: tpu7x:2x2x1
jax: 0.10.2.dev20260603
libtpu: 0.0.44.dev20260713+nightly
codegen_flags: <defaults>
</compile_context>

<pallas_src>
import functools

import jax
import jax.numpy as jnp
from jax import lax
from jax.experimental import pallas as pl
from jax.experimental.pallas import tpu as pltpu
from jax.experimental.pallas import tpu_sc as plsc

_BUFFER_SIZE = 4194304
_TAIL = 1536
_BUF_LEN = _BUFFER_SIZE + _TAIL
_NC = 2
_NS = 16
_NW = _NC * _NS
_PER_W = _BUFFER_SIZE // _NW
_CHUNKS = (8192, 24576, 49152, 49152)
_OFFS = (0, 8192, 32768, 81920)
_NCH = len(_CHUNKS)

_MESH = plsc.VectorSubcoreMesh(core_axis_name="c", subcore_axis_name="s")


def _in_copy(x_hbm, stage, in_sems, base, c):
    return pltpu.make_async_copy(
        x_hbm.at[pl.ds(0, 1), pl.ds(base + _OFFS[c], _CHUNKS[c])],
        stage.at[pl.ds(0, 1), pl.ds(_OFFS[c], _CHUNKS[c])],
        in_sems.at[c],
    )


def _out_copy(out_hbm, stage, out_sems, base, c):
    return pltpu.make_async_copy(
        stage.at[pl.ds(0, 1), pl.ds(_OFFS[c], _CHUNKS[c])],
        out_hbm.at[pl.ds(0, 1), pl.ds(_TAIL + base + _OFFS[c], _CHUNKS[c])],
        out_sems.at[c],
    )


@functools.partial(
    pl.kernel,
    out_type=jax.ShapeDtypeStruct((1, _BUF_LEN), jnp.float32),
    mesh=_MESH,
    scratch_types=[
        pltpu.VMEM((1, _PER_W), jnp.float32),
        pltpu.SemaphoreType.DMA((_NCH,)),
        pltpu.SemaphoreType.DMA((_NCH,)),
        pltpu.SemaphoreType.DMA,
        pltpu.SemaphoreType.DMA,
    ],
)
def _sc_concat(x_hbm, buf_hbm, out_hbm, stage, in_sems, out_sems,
               tin_sem, tout_sem):
    wid = lax.axis_index("s") * _NC + lax.axis_index("c")
    base = wid * _PER_W

    for c in range(_NCH):
        _in_copy(x_hbm, stage, in_sems, base, c).start()

    for c in range(_NCH):
        _in_copy(x_hbm, stage, in_sems, base, c).wait()
        _out_copy(out_hbm, stage, out_sems, base, c).start()

    _out_copy(out_hbm, stage, out_sems, base, 0).wait()

    @pl.when(wid == 0)
    def _():
        tslot = stage.at[pl.ds(0, 1), pl.ds(0, _TAIL)]
        t_in = pltpu.make_async_copy(
            buf_hbm.at[pl.ds(0, 1), pl.ds(_BUFFER_SIZE, _TAIL)], tslot,
            tin_sem)
        t_in.start()
        t_in.wait()
        pltpu.make_async_copy(
            tslot, out_hbm.at[pl.ds(0, 1), pl.ds(0, _TAIL)], tout_sem).start()

    for c in range(1, _NCH):
        _out_copy(out_hbm, stage, out_sems, base, c).wait()

    @pl.when(wid == 0)
    def _():
        pltpu.make_async_copy(
            stage.at[pl.ds(0, 1), pl.ds(0, _TAIL)],
            out_hbm.at[pl.ds(0, 1), pl.ds(0, _TAIL)], tout_sem).wait()


def kernel(x, buffer):
    return _sc_concat(x, buffer)

# --- scband reference (transcript-rebuilt; emitter-appended) ---
"""Pipeline reference for scband-buffer-stft-1769526526421 (READ-ONLY COPY).

The authoritative reference and input builder live on the scoring server;
editing this copy changes nothing except your own understanding.
"""

import jax, jax.numpy as jnp
import numpy as np

BUFFER_SIZE = 4194304
HOP_LENGTH = 512
N_FRAME = BUFFER_SIZE // HOP_LENGTH - 1
BUF_LEN = 2048 + N_FRAME * HOP_LENGTH  # 4195840


def setup_inputs(seed: int = 0) -> dict:
    key = jax.random.key(seed)
    x = jax.random.normal(key, (1, BUFFER_SIZE), dtype=jnp.float32)
    buffer = jnp.zeros((1, BUF_LEN), dtype=jnp.float32)
    return {"x": x, "buffer": buffer}


def reference(x, buffer):
    # torch.roll(self.buffer, -self.buffer_size, -1)
    buf = jnp.roll(buffer, -BUFFER_SIZE, axis=-1)
    # self.buffer[:, -self.buffer_size:] = x  (scatter-overwrite of trailing slots)
    buf = buf.at[:, -BUFFER_SIZE:].set(x)
    return buf

if __name__ == "__main__":
    import jax
    _d = setup_inputs()
    print(jax.jit(kernel)(*tuple(_d.values())))

</pallas_src>

<mosaic_0001>
#map = affine_map<(d0, d1) -> (0, 0)>
module attributes {stable_mosaic.version = 14 : i64} {
  func.func @_sc_concat(%arg0: i32, %arg1: i32, %arg2: memref<1x4194304xf32, #tpu.memory_space<hbm>>, %arg3: memref<1x4195840xf32, #tpu.memory_space<hbm>>, %arg4: memref<1x4195840xf32, #tpu.memory_space<hbm>>, %arg5: memref<1x131072xf32, #tpu.memory_space<vmem>>, %arg6: memref<4x!tpu.dma_semaphore, #tpu.memory_space<semaphore_mem>>, %arg7: memref<4x!tpu.dma_semaphore, #tpu.memory_space<semaphore_mem>>, %arg8: memref<!tpu.dma_semaphore, #tpu.memory_space<semaphore_mem>>, %arg9: memref<!tpu.dma_semaphore, #tpu.memory_space<semaphore_mem>>) attributes {dimension_semantics = [#tpu.dimension_semantics<core_parallel>, #tpu.dimension_semantics<subcore_parallel>], iteration_bounds = array<i64: 2, 16>, scalar_prefetch = 0 : i64, scratch_operands = 5 : i64, tpu.core_type = #tpu.core_type<sc_vector_subcore>, window_params = [{transform_indices = #map}, {transform_indices = #map}, {transform_indices = #map}]} {
    %mul3A = arith.constant 2 : i32
    %mul3A_0 = arith.muli %arg1, %mul3A : i32
    %add3A = arith.addi %mul3A_0, %arg0 : i32
    %mul3A_1 = arith.constant 131072 : i32
    %mul3A_2 = arith.muli %add3A, %mul3A_1 : i32
    %add3A_3 = arith.constant 0 : i32
    %add3A_4 = arith.addi %mul3A_2, %add3A_3 : i32
    %dma_start3A = arith.constant 0 : i32
    %dma_start3A_5 = arith.constant 0 : i32
    %dma_start3A_6 = arith.constant 0 : i32
    %dma_start3A_7 = tpu.memref_slice %arg5[%dma_start3A_5, %dma_start3A_6] : memref<1x131072xf32, #tpu.memory_space<vmem>> -> memref<1x8192xf32, #tpu.memory_space<vmem>>
    %dma_start3A_8 = arith.constant 0 : i32
    %dma_start3A_9 = tpu.memref_slice %arg2[%dma_start3A_8, %add3A_4] : memref<1x4194304xf32, #tpu.memory_space<hbm>> -> memref<1x8192xf32, #tpu.memory_space<hbm>>
    %dma_start3A_10 = tpu.memref_slice %arg6[%dma_start3A] : memref<4x!tpu.dma_semaphore, #tpu.memory_space<semaphore_mem>> -> memref<1x!tpu.dma_semaphore, #tpu.memory_space<semaphore_mem>>
    %dma_start3A_11 = tpu.memref_squeeze %dma_start3A_10 : memref<1x!tpu.dma_semaphore, #tpu.memory_space<semaphore_mem>> -> memref<!tpu.dma_semaphore, #tpu.memory_space<semaphore_mem>>
    %dma_start3A_12 = arith.constant 0 : i32
    %dma_start3A_13 = arith.constant 0 : i32
    %dma_start3A_14 = tpu.memref_slice %arg5[%dma_start3A_12, %dma_start3A_13] : memref<1x131072xf32, #tpu.memory_space<vmem>> -> memref<1x8192xf32, #tpu.memory_space<vmem>>
    %dma_start3A_15 = arith.constant 0 : i32
    %dma_start3A_16 = tpu.memref_slice %arg2[%dma_start3A_15, %add3A_4] : memref<1x4194304xf32, #tpu.memory_space<hbm>> -> memref<1x8192xf32, #tpu.memory_space<hbm>>
    tpu.enqueue_dma source(%dma_start3A_16 : memref<1x8192xf32, #tpu.memory_space<hbm>>) target(%dma_start3A_14 : memref<1x8192xf32, #tpu.memory_space<vmem>>) target_semaphore(%dma_start3A_11 : memref<!tpu.dma_semaphore, #tpu.memory_space<semaphore_mem>>)
    %add3A_17 = arith.constant 8192 : i32
    %add3A_18 = arith.addi %mul3A_2, %add3A_17 : i32
    %dma_start3A_19 = arith.constant 1 : i32
    %dma_start3A_20 = arith.constant 0 : i32
    %dma_start3A_21 = arith.constant 8192 : i32
    %dma_start3A_22 = tpu.memref_slice %arg5[%dma_start3A_20, %dma_start3A_21] : memref<1x131072xf32, #tpu.memory_space<vmem>> -> memref<1x24576xf32, #tpu.memory_space<vmem>>
    %dma_start3A_23 = arith.constant 0 : i32
    %dma_start3A_24 = tpu.memref_slice %arg2[%dma_start3A_23, %add3A_18] : memref<1x4194304xf32, #tpu.memory_space<hbm>> -> memref<1x24576xf32, #tpu.memory_space<hbm>>
    %dma_start3A_25 = tpu.memref_slice %arg6[%dma_start3A_19] : memref<4x!tpu.dma_semaphore, #tpu.memory_space<semaphore_mem>> -> memref<1x!tpu.dma_semaphore, #tpu.memory_space<semaphore_mem>>
    %dma_start3A_26 = tpu.memref_squeeze %dma_start3A_25 : memref<1x!tpu.dma_semaphore, #tpu.memory_space<semaphore_mem>> -> memref<!tpu.dma_semaphore, #tpu.memory_space<semaphore_mem>>
    %dma_start3A_27 = arith.constant 0 : i32
    %dma_start3A_28 = arith.constant 8192 : i32
    %dma_start3A_29 = tpu.memref_slice %arg5[%dma_start3A_27, %dma_start3A_28] : memref<1x131072xf32, #tpu.memory_space<vmem>> -> memref<1x24576xf32, #tpu.memory_space<vmem>>
    %dma_start3A_30 = arith.constant 0 : i32
    %dma_start3A_31 = tpu.memref_slice %arg2[%dma_start3A_30, %add3A_18] : memref<1x4194304xf32, #tpu.memory_space<hbm>> -> memref<1x24576xf32, #tpu.memory_space<hbm>>
    tpu.enqueue_dma source(%dma_start3A_31 : memref<1x24576xf32, #tpu.memory_space<hbm>>) target(%dma_start3A_29 : memref<1x24576xf32, #tpu.memory_space<vmem>>) target_semaphore(%dma_start3A_26 : memref<!tpu.dma_semaphore, #tpu.memory_space<semaphore_mem>>)
    %add3A_32 = arith.constant 32768 : i32
    %add3A_33 = arith.addi %mul3A_2, %add3A_32 : i32
    %dma_start3A_34 = arith.constant 2 : i32
    %dma_start3A_35 = arith.constant 0 : i32
    %dma_start3A_36 = arith.constant 32768 : i32
    %dma_start3A_37 = tpu.memref_slice %arg5[%dma_start3A_35, %dma_start3A_36] : memref<1x131072xf32, #tpu.memory_space<vmem>> -> memref<1x49152xf32, #tpu.memory_space<vmem>>
    %dma_start3A_38 = arith.constant 0 : i32
    %dma_start3A_39 = tpu.memref_slice %arg2[%dma_start3A_38, %add3A_33] : memref<1x4194304xf32, #tpu.memory_space<hbm>> -> memref<1x49152xf32, #tpu.memory_space<hbm>>
    %dma_start3A_40 = tpu.memref_slice %arg6[%dma_start3A_34] : memref<4x!tpu.dma_semaphore, #tpu.memory_space<semaphore_mem>> -> memref<1x!tpu.dma_semaphore, #tpu.memory_space<semaphore_mem>>
    %dma_start3A_41 = tpu.memref_squeeze %dma_start3A_40 : memref<1x!tpu.dma_semaphore, #tpu.memory_space<semaphore_mem>> -> memref<!tpu.dma_semaphore, #tpu.memory_space<semaphore_mem>>
    %dma_start3A_42 = arith.constant 0 : i32
    %dma_start3A_43 = arith.constant 32768 : i32
    %dma_start3A_44 = tpu.memref_slice %arg5[%dma_start3A_42, %dma_start3A_43] : memref<1x131072xf32, #tpu.memory_space<vmem>> -> memref<1x49152xf32, #tpu.memory_space<vmem>>
    %dma_start3A_45 = arith.constant 0 : i32
    %dma_start3A_46 = tpu.memref_slice %arg2[%dma_start3A_45, %add3A_33] : memref<1x4194304xf32, #tpu.memory_space<hbm>> -> memref<1x49152xf32, #tpu.memory_space<hbm>>
    tpu.enqueue_dma source(%dma_start3A_46 : memref<1x49152xf32, #tpu.memory_space<hbm>>) target(%dma_start3A_44 : memref<1x49152xf32, #tpu.memory_space<vmem>>) target_semaphore(%dma_start3A_41 : memref<!tpu.dma_semaphore, #tpu.memory_space<semaphore_mem>>)
    %add3A_47 = arith.constant 81920 : i32
    %add3A_48 = arith.addi %mul3A_2, %add3A_47 : i32
    %dma_start3A_49 = arith.constant 3 : i32
    %dma_start3A_50 = arith.constant 0 : i32
    %dma_start3A_51 = arith.constant 81920 : i32
    %dma_start3A_52 = tpu.memref_slice %arg5[%dma_start3A_50, %dma_start3A_51] : memref<1x131072xf32, #tpu.memory_space<vmem>> -> memref<1x49152xf32, #tpu.memory_space<vmem>>
    %dma_start3A_53 = arith.constant 0 : i32
    %dma_start3A_54 = tpu.memref_slice %arg2[%dma_start3A_53, %add3A_48] : memref<1x4194304xf32, #tpu.memory_space<hbm>> -> memref<1x49152xf32, #tpu.memory_space<hbm>>
    %dma_start3A_55 = tpu.memref_slice %arg6[%dma_start3A_49] : memref<4x!tpu.dma_semaphore, #tpu.memory_space<semaphore_mem>> -> memref<1x!tpu.dma_semaphore, #tpu.memory_space<semaphore_mem>>
    %dma_start3A_56 = tpu.memref_squeeze %dma_start3A_55 : memref<1x!tpu.dma_semaphore, #tpu.memory_space<semaphore_mem>> -> memref<!tpu.dma_semaphore, #tpu.memory_space<semaphore_mem>>
    %dma_start3A_57 = arith.constant 0 : i32
    %dma_start3A_58 = arith.constant 81920 : i32
    %dma_start3A_59 = tpu.memref_slice %arg5[%dma_start3A_57, %dma_start3A_58] : memref<1x131072xf32, #tpu.memory_space<vmem>> -> memref<1x49152xf32, #tpu.memory_space<vmem>>
    %dma_start3A_60 = arith.constant 0 : i32
    %dma_start3A_61 = tpu.memref_slice %arg2[%dma_start3A_60, %add3A_48] : memref<1x4194304xf32, #tpu.memory_space<hbm>> -> memref<1x49152xf32, #tpu.memory_space<hbm>>
    tpu.enqueue_dma source(%dma_start3A_61 : memref<1x49152xf32, #tpu.memory_space<hbm>>) target(%dma_start3A_59 : memref<1x49152xf32, #tpu.memory_space<vmem>>) target_semaphore(%dma_start3A_56 : memref<!tpu.dma_semaphore, #tpu.memory_space<semaphore_mem>>)
    %add3A_62 = arith.constant 0 : i32
    %add3A_63 = arith.addi %mul3A_2, %add3A_62 : i32
    %dma_wait3A = arith.constant 0 : i32
    %dma_wait3A_64 = arith.constant 0 : i32
    %dma_wait3A_65 = arith.constant 0 : i32
    %dma_wait3A_66 = tpu.memref_slice %arg5[%dma_wait3A_64, %dma_wait3A_65] : memref<1x131072xf32, #tpu.memory_space<vmem>> -> memref<1x8192xf32, #tpu.memory_space<vmem>>
    %dma_wait3A_67 = arith.constant 0 : i32
    %dma_wait3A_68 = tpu.memref_slice %arg2[%dma_wait3A_67, %add3A_63] : memref<1x4194304xf32, #tpu.memory_space<hbm>> -> memref<1x8192xf32, #tpu.memory_space<hbm>>
    %dma_wait3A_69 = tpu.memref_slice %arg6[%dma_wait3A] : memref<4x!tpu.dma_semaphore, #tpu.memory_space<semaphore_mem>> -> memref<1x!tpu.dma_semaphore, #tpu.memory_space<semaphore_mem>>
    %dma_wait3A_70 = tpu.memref_squeeze %dma_wait3A_69 : memref<1x!tpu.dma_semaphore, #tpu.memory_space<semaphore_mem>> -> memref<!tpu.dma_semaphore, #tpu.memory_space<semaphore_mem>>
    %dma_wait3A_71 = arith.constant 0 : i32
    %dma_wait3A_72 = arith.constant 0 : i32
    %dma_wait3A_73 = tpu.memref_slice %arg5[%dma_wait3A_71, %dma_wait3A_72] : memref<1x131072xf32, #tpu.memory_space<vmem>> -> memref<1x8192xf32, #tpu.memory_space<vmem>>
    %dma_wait3A_74 = arith.constant 0 : i32
    %dma_wait3A_75 = tpu.memref_slice %arg2[%dma_wait3A_74, %add3A_63] : memref<1x4194304xf32, #tpu.memory_space<hbm>> -> memref<1x8192xf32, #tpu.memory_space<hbm>>
    tpu.wait_dma2 semaphore(%dma_wait3A_70 : memref<!tpu.dma_semaphore, #tpu.memory_space<semaphore_mem>>) src(%dma_wait3A_75 : memref<1x8192xf32, #tpu.memory_space<hbm>>) dst(%dma_wait3A_73 : memref<1x8192xf32, #tpu.memory_space<vmem>>)
    %add3A_76 = arith.constant 1536 : i32
    %add3A_77 = arith.addi %add3A_76, %mul3A_2 : i32
    %add3A_78 = arith.constant 0 : i32
    %add3A_79 = arith.addi %add3A_77, %add3A_78 : i32
    %dma_start3A_80 = arith.constant 0 : i32
    %dma_start3A_81 = arith.constant 0 : i32
    %dma_start3A_82 = arith.constant 0 : i32
    %dma_start3A_83 = tpu.memref_slice %arg5[%dma_start3A_81, %dma_start3A_82] : memref<1x131072xf32, #tpu.memory_space<vmem>> -> memref<1x8192xf32, #tpu.memory_space<vmem>>
    %dma_start3A_84 = arith.constant 0 : i32
    %dma_start3A_85 = tpu.memref_slice %arg4[%dma_start3A_84, %add3A_79] : memref<1x4195840xf32, #tpu.memory_space<hbm>> -> memref<1x8192xf32, #tpu.memory_space<hbm>>
    %dma_start3A_86 = tpu.memref_slice %arg7[%dma_start3A_80] : memref<4x!tpu.dma_semaphore, #tpu.memory_space<semaphore_mem>> -> memref<1x!tpu.dma_semaphore, #tpu.memory_space<semaphore_mem>>
    %dma_start3A_87 = tpu.memref_squeeze %dma_start3A_86 : memref<1x!tpu.dma_semaphore, #tpu.memory_space<semaphore_mem>> -> memref<!tpu.dma_semaphore, #tpu.memory_space<semaphore_mem>>
    %dma_start3A_88 = arith.constant 0 : i32
    %dma_start3A_89 = tpu.memref_slice %arg4[%dma_start3A_88, %add3A_79] : memref<1x4195840xf32, #tpu.memory_space<hbm>> -> memref<1x8192xf32, #tpu.memory_space<hbm>>
    %dma_start3A_90 = arith.constant 0 : i32
    %dma_start3A_91 = arith.constant 0 : i32
    %dma_start3A_92 = tpu.memref_slice %arg5[%dma_start3A_90, %dma_start3A_91] : memref<1x131072xf32, #tpu.memory_space<vmem>> -> memref<1x8192xf32, #tpu.memory_space<vmem>>
    tpu.enqueue_dma source(%dma_start3A_92 : memref<1x8192xf32, #tpu.memory_space<vmem>>) target(%dma_start3A_89 : memref<1x8192xf32, #tpu.memory_space<hbm>>) target_semaphore(%dma_start3A_87 : memref<!tpu.dma_semaphore, #tpu.memory_space<semaphore_mem>>)
    %add3A_93 = arith.constant 8192 : i32
    %add3A_94 = arith.addi %mul3A_2, %add3A_93 : i32
    %dma_wait3A_95 = arith.constant 1 : i32
    %dma_wait3A_96 = arith.constant 0 : i32
    %dma_wait3A_97 = arith.constant 8192 : i32
    %dma_wait3A_98 = tpu.memref_slice %arg5[%dma_wait3A_96, %dma_wait3A_97] : memref<1x131072xf32, #tpu.memory_space<vmem>> -> memref<1x24576xf32, #tpu.memory_space<vmem>>
    %dma_wait3A_99 = arith.constant 0 : i32
    %dma_wait3A_100 = tpu.memref_slice %arg2[%dma_wait3A_99, %add3A_94] : memref<1x4194304xf32, #tpu.memory_space<hbm>> -> memref<1x24576xf32, #tpu.memory_space<hbm>>
    %dma_wait3A_101 = tpu.memref_slice %arg6[%dma_wait3A_95] : memref<4x!tpu.dma_semaphore, #tpu.memory_space<semaphore_mem>> -> memref<1x!tpu.dma_semaphore, #tpu.memory_space<semaphore_mem>>
    %dma_wait3A_102 = tpu.memref_squeeze %dma_wait3A_101 : memref<1x!tpu.dma_semaphore, #tpu.memory_space<semaphore_mem>> -> memref<!tpu.dma_semaphore, #tpu.memory_space<semaphore_mem>>
    %dma_wait3A_103 = arith.constant 0 : i32
    %dma_wait3A_104 = arith.constant 8192 : i32
    %dma_wait3A_105 = tpu.memref_slice %arg5[%dma_wait3A_103, %dma_wait3A_104] : memref<1x131072xf32, #tpu.memory_space<vmem>> -> memref<1x24576xf32, #tpu.memory_space<vmem>>
    %dma_wait3A_106 = arith.constant 0 : i32
    %dma_wait3A_107 = tpu.memref_slice %arg2[%dma_wait3A_106, %add3A_94] : memref<1x4194304xf32, #tpu.memory_space<hbm>> -> memref<1x24576xf32, #tpu.memory_space<hbm>>
    tpu.wait_dma2 semaphore(%dma_wait3A_102 : memref<!tpu.dma_semaphore, #tpu.memory_space<semaphore_mem>>) src(%dma_wait3A_107 : memref<1x24576xf32, #tpu.memory_space<hbm>>) dst(%dma_wait3A_105 : memref<1x24576xf32, #tpu.memory_space<vmem>>)
    %add3A_108 = arith.constant 1536 : i32
    %add3A_109 = arith.addi %add3A_108, %mul3A_2 : i32
    %add3A_110 = arith.constant 8192 : i32
    %add3A_111 = arith.addi %add3A_109, %add3A_110 : i32
    %dma_start3A_112 = arith.constant 1 : i32
    %dma_start3A_113 = arith.constant 0 : i32
    %dma_start3A_114 = arith.constant 8192 : i32
    %dma_start3A_115 = tpu.memref_slice %arg5[%dma_start3A_113, %dma_start3A_114] : memref<1x131072xf32, #tpu.memory_space<vmem>> -> memref<1x24576xf32, #tpu.memory_space<vmem>>
    %dma_start3A_116 = arith.constant 0 : i32
    %dma_start3A_117 = tpu.memref_slice %arg4[%dma_start3A_116, %add3A_111] : memref<1x4195840xf32, #tpu.memory_space<hbm>> -> memref<1x24576xf32, #tpu.memory_space<hbm>>
    %dma_start3A_118 = tpu.memref_slice %arg7[%dma_start3A_112] : memref<4x!tpu.dma_semaphore, #tpu.memory_space<semaphore_mem>> -> memref<1x!tpu.dma_semaphore, #tpu.memory_space<semaphore_mem>>
    %dma_start3A_119 = tpu.memref_squeeze %dma_start3A_118 : memref<1x!tpu.dma_semaphore, #tpu.memory_space<semaphore_mem>> -> memref<!tpu.dma_semaphore, #tpu.memory_space<semaphore_mem>>
    %dma_start3A_120 = arith.constant 0 : i32
    %dma_start3A_121 = tpu.memref_slice %arg4[%dma_start3A_120, %add3A_111] : memref<1x4195840xf32, #tpu.memory_space<hbm>> -> memref<1x24576xf32, #tpu.memory_space<hbm>>
    %dma_start3A_122 = arith.constant 0 : i32
    %dma_start3A_123 = arith.constant 8192 : i32
    %dma_start3A_124 = tpu.memref_slice %arg5[%dma_start3A_122, %dma_start3A_123] : memref<1x131072xf32, #tpu.memory_space<vmem>> -> memref<1x24576xf32, #tpu.memory_space<vmem>>
    tpu.enqueue_dma source(%dma_start3A_124 : memref<1x24576xf32, #tpu.memory_space<vmem>>) target(%dma_start3A_121 : memref<1x24576xf32, #tpu.memory_space<hbm>>) target_semaphore(%dma_start3A_119 : memref<!tpu.dma_semaphore, #tpu.memory_space<semaphore_mem>>)
    %add3A_125 = arith.constant 32768 : i32
    %add3A_126 = arith.addi %mul3A_2, %add3A_125 : i32
    %dma_wait3A_127 = arith.constant 2 : i32
    %dma_wait3A_128 = arith.constant 0 : i32
    %dma_wait3A_129 = arith.constant 32768 : i32
    %dma_wait3A_130 = tpu.memref_slice %arg5[%dma_wait3A_128, %dma_wait3A_129] : memref<1x131072xf32, #tpu.memory_space<vmem>> -> memref<1x49152xf32, #tpu.memory_space<vmem>>
    %dma_wait3A_131 = arith.constant 0 : i32
    %dma_wait3A_132 = tpu.memref_slice %arg2[%dma_wait3A_131, %add3A_126] : memref<1x4194304xf32, #tpu.memory_space<hbm>> -> memref<1x49152xf32, #tpu.memory_space<hbm>>
    %dma_wait3A_133 = tpu.memref_slice %arg6[%dma_wait3A_127] : memref<4x!tpu.dma_semaphore, #tpu.memory_space<semaphore_mem>> -> memref<1x!tpu.dma_semaphore, #tpu.memory_space<semaphore_mem>>
    %dma_wait3A_134 = tpu.memref_squeeze %dma_wait3A_133 : memref<1x!tpu.dma_semaphore, #tpu.memory_space<semaphore_mem>> -> memref<!tpu.dma_semaphore, #tpu.memory_space<semaphore_mem>>
    %dma_wait3A_135 = arith.constant 0 : i32
    %dma_wait3A_136 = arith.constant 32768 : i32
    %dma_wait3A_137 = tpu.memref_slice %arg5[%dma_wait3A_135, %dma_wait3A_136] : memref<1x131072xf32, #tpu.memory_space<vmem>> -> memref<1x49152xf32, #tpu.memory_space<vmem>>
    %dma_wait3A_138 = arith.constant 0 : i32
    %dma_wait3A_139 = tpu.memref_slice %arg2[%dma_wait3A_138, %add3A_126] : memref<1x4194304xf32, #tpu.memory_space<hbm>> -> memref<1x49152xf32, #tpu.memory_space<hbm>>
    tpu.wait_dma2 semaphore(%dma_wait3A_134 : memref<!tpu.dma_semaphore, #tpu.memory_space<semaphore_mem>>) src(%dma_wait3A_139 : memref<1x49152xf32, #tpu.memory_space<hbm>>) dst(%dma_wait3A_137 : memref<1x49152xf32, #tpu.memory_space<vmem>>)
    %add3A_140 = arith.constant 1536 : i32
    %add3A_141 = arith.addi %add3A_140, %mul3A_2 : i32
    %add3A_142 = arith.constant 32768 : i32
    %add3A_143 = arith.addi %add3A_141, %add3A_142 : i32
    %dma_start3A_144 = arith.constant 2 : i32
    %dma_start3A_145 = arith.constant 0 : i32
    %dma_start3A_146 = arith.constant 32768 : i32
    %dma_start3A_147 = tpu.memref_slice %arg5[%dma_start3A_145, %dma_start3A_146] : memref<1x131072xf32, #tpu.memory_space<vmem>> -> memref<1x49152xf32, #tpu.memory_space<vmem>>
    %dma_start3A_148 = arith.constant 0 : i32
    %dma_start3A_149 = tpu.memref_slice %arg4[%dma_start3A_148, %add3A_143] : memref<1x4195840xf32, #tpu.memory_space<hbm>> -> memref<1x49152xf32, #tpu.memory_space<hbm>>
    %dma_start3A_150 = tpu.memref_slice %arg7[%dma_start3A_144] : memref<4x!tpu.dma_semaphore, #tpu.memory_space<semaphore_mem>> -> memref<1x!tpu.dma_semaphore, #tpu.memory_space<semaphore_mem>>
    %dma_start3A_151 = tpu.memref_squeeze %dma_start3A_150 : memref<1x!tpu.dma_semaphore, #tpu.memory_space<semaphore_mem>> -> memref<!tpu.dma_semaphore, #tpu.memory_space<semaphore_mem>>
    %dma_start3A_152 = arith.constant 0 : i32
    %dma_start3A_153 = tpu.memref_slice %arg4[%dma_start3A_152, %add3A_143] : memref<1x4195840xf32, #tpu.memory_space<hbm>> -> memref<1x49152xf32, #tpu.memory_space<hbm>>
    %dma_start3A_154 = arith.constant 0 : i32
    %dma_start3A_155 = arith.constant 32768 : i32
    %dma_start3A_156 = tpu.memref_slice %arg5[%dma_start3A_154, %dma_start3A_155] : memref<1x131072xf32, #tpu.memory_space<vmem>> -> memref<1x49152xf32, #tpu.memory_space<vmem>>
    tpu.enqueue_dma source(%dma_start3A_156 : memref<1x49152xf32, #tpu.memory_space<vmem>>) target(%dma_start3A_153 : memref<1x49152xf32, #tpu.memory_space<hbm>>) target_semaphore(%dma_start3A_151 : memref<!tpu.dma_semaphore, #tpu.memory_space<semaphore_mem>>)
    %add3A_157 = arith.constant 81920 : i32
    %add3A_158 = arith.addi %mul3A_2, %add3A_157 : i32
    %dma_wait3A_159 = arith.constant 3 : i32
    %dma_wait3A_160 = arith.constant 0 : i32
    %dma_wait3A_161 = arith.constant 81920 : i32
    %dma_wait3A_162 = tpu.memref_slice %arg5[%dma_wait3A_160, %dma_wait3A_161] : memref<1x131072xf32, #tpu.memory_space<vmem>> -> memref<1x49152xf32, #tpu.memory_space<vmem>>
    %dma_wait3A_163 = arith.constant 0 : i32
    %dma_wait3A_164 = tpu.memref_slice %arg2[%dma_wait3A_163, %add3A_158] : memref<1x4194304xf32, #tpu.memory_space<hbm>> -> memref<1x49152xf32, #tpu.memory_space<hbm>>
    %dma_wait3A_165 = tpu.memref_slice %arg6[%dma_wait3A_159] : memref<4x!tpu.dma_semaphore, #tpu.memory_space<semaphore_mem>> -> memref<1x!tpu.dma_semaphore, #tpu.memory_space<semaphore_mem>>
    %dma_wait3A_166 = tpu.memref_squeeze %dma_wait3A_165 : memref<1x!tpu.dma_semaphore, #tpu.memory_space<semaphore_mem>> -> memref<!tpu.dma_semaphore, #tpu.memory_space<semaphore_mem>>
    %dma_wait3A_167 = arith.constant 0 : i32
    %dma_wait3A_168 = arith.constant 81920 : i32
    %dma_wait3A_169 = tpu.memref_slice %arg5[%dma_wait3A_167, %dma_wait3A_168] : memref<1x131072xf32, #tpu.memory_space<vmem>> -> memref<1x49152xf32, #tpu.memory_space<vmem>>
    %dma_wait3A_170 = arith.constant 0 : i32
    %dma_wait3A_171 = tpu.memref_slice %arg2[%dma_wait3A_170, %add3A_158] : memref<1x4194304xf32, #tpu.memory_space<hbm>> -> memref<1x49152xf32, #tpu.memory_space<hbm>>
    tpu.wait_dma2 semaphore(%dma_wait3A_166 : memref<!tpu.dma_semaphore, #tpu.memory_space<semaphore_mem>>) src(%dma_wait3A_171 : memref<1x49152xf32, #tpu.memory_space<hbm>>) dst(%dma_wait3A_169 : memref<1x49152xf32, #tpu.memory_space<vmem>>)
    %add3A_172 = arith.constant 1536 : i32
    %add3A_173 = arith.addi %add3A_172, %mul3A_2 : i32
    %add3A_174 = arith.constant 81920 : i32
    %add3A_175 = arith.addi %add3A_173, %add3A_174 : i32
    %dma_start3A_176 = arith.constant 3 : i32
    %dma_start3A_177 = arith.constant 0 : i32
    %dma_start3A_178 = arith.constant 81920 : i32
    %dma_start3A_179 = tpu.memref_slice %arg5[%dma_start3A_177, %dma_start3A_178] : memref<1x131072xf32, #tpu.memory_space<vmem>> -> memref<1x49152xf32, #tpu.memory_space<vmem>>
    %dma_start3A_180 = arith.constant 0 : i32
    %dma_start3A_181 = tpu.memref_slice %arg4[%dma_start3A_180, %add3A_175] : memref<1x4195840xf32, #tpu.memory_space<hbm>> -> memref<1x49152xf32, #tpu.memory_space<hbm>>
    %dma_start3A_182 = tpu.memref_slice %arg7[%dma_start3A_176] : memref<4x!tpu.dma_semaphore, #tpu.memory_space<semaphore_mem>> -> memref<1x!tpu.dma_semaphore, #tpu.memory_space<semaphore_mem>>
    %dma_start3A_183 = tpu.memref_squeeze %dma_start3A_182 : memref<1x!tpu.dma_semaphore, #tpu.memory_space<semaphore_mem>> -> memref<!tpu.dma_semaphore, #tpu.memory_space<semaphore_mem>>
    %dma_start3A_184 = arith.constant 0 : i32
    %dma_start3A_185 = tpu.memref_slice %arg4[%dma_start3A_184, %add3A_175] : memref<1x4195840xf32, #tpu.memory_space<hbm>> -> memref<1x49152xf32, #tpu.memory_space<hbm>>
    %dma_start3A_186 = arith.constant 0 : i32
    %dma_start3A_187 = arith.constant 81920 : i32
    %dma_start3A_188 = tpu.memref_slice %arg5[%dma_start3A_186, %dma_start3A_187] : memref<1x131072xf32, #tpu.memory_space<vmem>> -> memref<1x49152xf32, #tpu.memory_space<vmem>>
    tpu.enqueue_dma source(%dma_start3A_188 : memref<1x49152xf32, #tpu.memory_space<vmem>>) target(%dma_start3A_185 : memref<1x49152xf32, #tpu.memory_space<hbm>>) target_semaphore(%dma_start3A_183 : memref<!tpu.dma_semaphore, #tpu.memory_space<semaphore_mem>>)
    %add3A_189 = arith.constant 1536 : i32
    %add3A_190 = arith.addi %add3A_189, %mul3A_2 : i32
    %add3A_191 = arith.constant 0 : i32
    %add3A_192 = arith.addi %add3A_190, %add3A_191 : i32
    %dma_wait3A_193 = arith.constant 0 : i32
    %dma_wait3A_194 = arith.constant 0 : i32
    %dma_wait3A_195 = arith.constant 0 : i32
    %dma_wait3A_196 = tpu.memref_slice %arg5[%dma_wait3A_194, %dma_wait3A_195] : memref<1x131072xf32, #tpu.memory_space<vmem>> -> memref<1x8192xf32, #tpu.memory_space<vmem>>
    %dma_wait3A_197 = arith.constant 0 : i32
    %dma_wait3A_198 = tpu.memref_slice %arg4[%dma_wait3A_197, %add3A_192] : memref<1x4195840xf32, #tpu.memory_space<hbm>> -> memref<1x8192xf32, #tpu.memory_space<hbm>>
    %dma_wait3A_199 = tpu.memref_slice %arg7[%dma_wait3A_193] : memref<4x!tpu.dma_semaphore, #tpu.memory_space<semaphore_mem>> -> memref<1x!tpu.dma_semaphore, #tpu.memory_space<semaphore_mem>>
    %dma_wait3A_200 = tpu.memref_squeeze %dma_wait3A_199 : memref<1x!tpu.dma_semaphore, #tpu.memory_space<semaphore_mem>> -> memref<!tpu.dma_semaphore, #tpu.memory_space<semaphore_mem>>
    %dma_wait3A_201 = arith.constant 0 : i32
    %dma_wait3A_202 = tpu.memref_slice %arg4[%dma_wait3A_201, %add3A_192] : memref<1x4195840xf32, #tpu.memory_space<hbm>> -> memref<1x8192xf32, #tpu.memory_space<hbm>>
    %dma_wait3A_203 = arith.constant 0 : i32
    %dma_wait3A_204 = arith.constant 0 : i32
    %dma_wait3A_205 = tpu.memref_slice %arg5[%dma_wait3A_203, %dma_wait3A_204] : memref<1x131072xf32, #tpu.memory_space<vmem>> -> memref<1x8192xf32, #tpu.memory_space<vmem>>
    tpu.wait_dma2 semaphore(%dma_wait3A_200 : memref<!tpu.dma_semaphore, #tpu.memory_space<semaphore_mem>>) src(%dma_wait3A_205 : memref<1x8192xf32, #tpu.memory_space<vmem>>) dst(%dma_wait3A_202 : memref<1x8192xf32, #tpu.memory_space<hbm>>)
    %eq3A = arith.constant 0 : i32
    %eq3A_206 = arith.cmpi eq, %add3A, %eq3A : i32
    %convert_element_type3A = arith.extui %eq3A_206 : i1 to i32
    %cond3A = arith.constant 0 : i32
    %cond3A_207 = arith.cmpi ne, %convert_element_type3A, %cond3A : i32
    scf.if %cond3A_207 {
      %dma_start3A_264 = arith.constant 0 : i32
      %dma_start3A_265 = arith.constant 0 : i32
      %dma_start3A_266 = tpu.memref_slice %arg5[%dma_start3A_264, %dma_start3A_265] : memref<1x131072xf32, #tpu.memory_space<vmem>> -> memref<1x1536xf32, #tpu.memory_space<vmem>>
      %dma_start3A_267 = arith.constant 0 : i32
      %dma_start3A_268 = arith.constant 4194304 : i32
      %dma_start3A_269 = tpu.memref_slice %arg3[%dma_start3A_267, %dma_start3A_268] : memref<1x4195840xf32, #tpu.memory_space<hbm>> -> memref<1x1536xf32, #tpu.memory_space<hbm>>
      %dma_start3A_270 = arith.constant 0 : i32
      %dma_start3A_271 = arith.constant 0 : i32
      %dma_start3A_272 = tpu.memref_slice %arg5[%dma_start3A_270, %dma_start3A_271] : memref<1x131072xf32, #tpu.memory_space<vmem>> -> memref<1x1536xf32, #tpu.memory_space<vmem>>
      %dma_start3A_273 = arith.constant 0 : i32
      %dma_start3A_274 = arith.constant 4194304 : i32
      %dma_start3A_275 = tpu.memref_slice %arg3[%dma_start3A_273, %dma_start3A_274] : memref<1x4195840xf32, #tpu.memory_space<hbm>> -> memref<1x1536xf32, #tpu.memory_space<hbm>>
      tpu.enqueue_dma source(%dma_start3A_275 : memref<1x1536xf32, #tpu.memory_space<hbm>>) target(%dma_start3A_272 : memref<1x1536xf32, #tpu.memory_space<vmem>>) target_semaphore(%arg8 : memref<!tpu.dma_semaphore, #tpu.memory_space<semaphore_mem>>)
      %dma_wait3A_276 = arith.constant 0 : i32
      %dma_wait3A_277 = arith.constant 0 : i32
      %dma_wait3A_278 = tpu.memref_slice %arg5[%dma_wait3A_276, %dma_wait3A_277] : memref<1x131072xf32, #tpu.memory_space<vmem>> -> memref<1x1536xf32, #tpu.memory_space<vmem>>
      %dma_wait3A_279 = arith.constant 0 : i32
      %dma_wait3A_280 = arith.constant 4194304 : i32
      %dma_wait3A_281 = tpu.memref_slice %arg3[%dma_wait3A_279, %dma_wait3A_280] : memref<1x4195840xf32, #tpu.memory_space<hbm>> -> memref<1x1536xf32, #tpu.memory_space<hbm>>
      %dma_wait3A_282 = arith.constant 0 : i32
      %dma_wait3A_283 = arith.constant 0 : i32
      %dma_wait3A_284 = tpu.memref_slice %arg5[%dma_wait3A_282, %dma_wait3A_283] : memref<1x131072xf32, #tpu.memory_space<vmem>> -> memref<1x1536xf32, #tpu.memory_space<vmem>>
      %dma_wait3A_285 = arith.constant 0 : i32
      %dma_wait3A_286 = arith.constant 4194304 : i32
      %dma_wait3A_287 = tpu.memref_slice %arg3[%dma_wait3A_285, %dma_wait3A_286] : memref<1x4195840xf32, #tpu.memory_space<hbm>> -> memref<1x1536xf32, #tpu.memory_space<hbm>>
      tpu.wait_dma2 semaphore(%arg8 : memref<!tpu.dma_semaphore, #tpu.memory_space<semaphore_mem>>) src(%dma_wait3A_287 : memref<1x1536xf32, #tpu.memory_space<hbm>>) dst(%dma_wait3A_284 : memref<1x1536xf32, #tpu.memory_space<vmem>>)
      %dma_start3A_288 = arith.constant 0 : i32
      %dma_start3A_289 = arith.constant 0 : i32
      %dma_start3A_290 = tpu.memref_slice %arg5[%dma_start3A_288, %dma_start3A_289] : memref<1x131072xf32, #tpu.memory_space<vmem>> -> memref<1x1536xf32, #tpu.memory_space<vmem>>
      %dma_start3A_291 = arith.constant 0 : i32
      %dma_start3A_292 = arith.constant 0 : i32
      %dma_start3A_293 = tpu.memref_slice %arg4[%dma_start3A_291, %dma_start3A_292] : memref<1x4195840xf32, #tpu.memory_space<hbm>> -> memref<1x1536xf32, #tpu.memory_space<hbm>>
      %dma_start3A_294 = arith.constant 0 : i32
      %dma_start3A_295 = arith.constant 0 : i32
      %dma_start3A_296 = tpu.memref_slice %arg4[%dma_start3A_294, %dma_start3A_295] : memref<1x4195840xf32, #tpu.memory_space<hbm>> -> memref<1x1536xf32, #tpu.memory_space<hbm>>
      %dma_start3A_297 = arith.constant 0 : i32
      %dma_start3A_298 = arith.constant 0 : i32
      %dma_start3A_299 = tpu.memref_slice %arg5[%dma_start3A_297, %dma_start3A_298] : memref<1x131072xf32, #tpu.memory_space<vmem>> -> memref<1x1536xf32, #tpu.memory_space<vmem>>
      tpu.enqueue_dma source(%dma_start3A_299 : memref<1x1536xf32, #tpu.memory_space<vmem>>) target(%dma_start3A_296 : memref<1x1536xf32, #tpu.memory_space<hbm>>) target_semaphore(%arg9 : memref<!tpu.dma_semaphore, #tpu.memory_space<semaphore_mem>>)
    } else {
    }
    %add3A_208 = arith.constant 1536 : i32
    %add3A_209 = arith.addi %add3A_208, %mul3A_2 : i32
    %add3A_210 = arith.constant 8192 : i32
    %add3A_211 = arith.addi %add3A_209, %add3A_210 : i32
    %dma_wait3A_212 = arith.constant 1 : i32
    %dma_wait3A_213 = arith.constant 0 : i32
    %dma_wait3A_214 = arith.constant 8192 : i32
    %dma_wait3A_215 = tpu.memref_slice %arg5[%dma_wait3A_213, %dma_wait3A_214] : memref<1x131072xf32, #tpu.memory_space<vmem>> -> memref<1x24576xf32, #tpu.memory_space<vmem>>
    %dma_wait3A_216 = arith.constant 0 : i32
    %dma_wait3A_217 = tpu.memref_slice %arg4[%dma_wait3A_216, %add3A_211] : memref<1x4195840xf32, #tpu.memory_space<hbm>> -> memref<1x24576xf32, #tpu.memory_space<hbm>>
    %dma_wait3A_218 = tpu.memref_slice %arg7[%dma_wait3A_212] : memref<4x!tpu.dma_semaphore, #tpu.memory_space<semaphore_mem>> -> memref<1x!tpu.dma_semaphore, #tpu.memory_space<semaphore_mem>>
    %dma_wait3A_219 = tpu.memref_squeeze %dma_wait3A_218 : memref<1x!tpu.dma_semaphore, #tpu.memory_space<semaphore_mem>> -> memref<!tpu.dma_semaphore, #tpu.memory_space<semaphore_mem>>
    %dma_wait3A_220 = arith.constant 0 : i32
    %dma_wait3A_221 = tpu.memref_slice %arg4[%dma_wait3A_220, %add3A_211] : memref<1x4195840xf32, #tpu.memory_space<hbm>> -> memref<1x24576xf32, #tpu.memory_space<hbm>>
    %dma_wait3A_222 = arith.constant 0 : i32
    %dma_wait3A_223 = arith.constant 8192 : i32
    %dma_wait3A_224 = tpu.memref_slice %arg5[%dma_wait3A_222, %dma_wait3A_223] : memref<1x131072xf32, #tpu.memory_space<vmem>> -> memref<1x24576xf32, #tpu.memory_space<vmem>>
    tpu.wait_dma2 semaphore(%dma_wait3A_219 : memref<!tpu.dma_semaphore, #tpu.memory_space<semaphore_mem>>) src(%dma_wait3A_224 : memref<1x24576xf32, #tpu.memory_space<vmem>>) dst(%dma_wait3A_221 : memref<1x24576xf32, #tpu.memory_space<hbm>>)
    %add3A_225 = arith.constant 1536 : i32
    %add3A_226 = arith.addi %add3A_225, %mul3A_2 : i32
    %add3A_227 = arith.constant 32768 : i32
    %add3A_228 = arith.addi %add3A_226, %add3A_227 : i32
    %dma_wait3A_229 = arith.constant 2 : i32
    %dma_wait3A_230 = arith.constant 0 : i32
    %dma_wait3A_231 = arith.constant 32768 : i32
    %dma_wait3A_232 = tpu.memref_slice %arg5[%dma_wait3A_230, %dma_wait3A_231] : memref<1x131072xf32, #tpu.memory_space<vmem>> -> memref<1x49152xf32, #tpu.memory_space<vmem>>
    %dma_wait3A_233 = arith.constant 0 : i32
    %dma_wait3A_234 = tpu.memref_slice %arg4[%dma_wait3A_233, %add3A_228] : memref<1x4195840xf32, #tpu.memory_space<hbm>> -> memref<1x49152xf32, #tpu.memory_space<hbm>>
    %dma_wait3A_235 = tpu.memref_slice %arg7[%dma_wait3A_229] : memref<4x!tpu.dma_semaphore, #tpu.memory_space<semaphore_mem>> -> memref<1x!tpu.dma_semaphore, #tpu.memory_space<semaphore_mem>>
    %dma_wait3A_236 = tpu.memref_squeeze %dma_wait3A_235 : memref<1x!tpu.dma_semaphore, #tpu.memory_space<semaphore_mem>> -> memref<!tpu.dma_semaphore, #tpu.memory_space<semaphore_mem>>
    %dma_wait3A_237 = arith.constant 0 : i32
    %dma_wait3A_238 = tpu.memref_slice %arg4[%dma_wait3A_237, %add3A_228] : memref<1x4195840xf32, #tpu.memory_space<hbm>> -> memref<1x49152xf32, #tpu.memory_space<hbm>>
    %dma_wait3A_239 = arith.constant 0 : i32
    %dma_wait3A_240 = arith.constant 32768 : i32
    %dma_wait3A_241 = tpu.memref_slice %arg5[%dma_wait3A_239, %dma_wait3A_240] : memref<1x131072xf32, #tpu.memory_space<vmem>> -> memref<1x49152xf32, #tpu.memory_space<vmem>>
    tpu.wait_dma2 semaphore(%dma_wait3A_236 : memref<!tpu.dma_semaphore, #tpu.memory_space<semaphore_mem>>) src(%dma_wait3A_241 : memref<1x49152xf32, #tpu.memory_space<vmem>>) dst(%dma_wait3A_238 : memref<1x49152xf32, #tpu.memory_space<hbm>>)
    %add3A_242 = arith.constant 1536 : i32
    %add3A_243 = arith.addi %add3A_242, %mul3A_2 : i32
    %add3A_244 = arith.constant 81920 : i32
    %add3A_245 = arith.addi %add3A_243, %add3A_244 : i32
    %dma_wait3A_246 = arith.constant 3 : i32
    %dma_wait3A_247 = arith.constant 0 : i32
    %dma_wait3A_248 = arith.constant 81920 : i32
    %dma_wait3A_249 = tpu.memref_slice %arg5[%dma_wait3A_247, %dma_wait3A_248] : memref<1x131072xf32, #tpu.memory_space<vmem>> -> memref<1x49152xf32, #tpu.memory_space<vmem>>
    %dma_wait3A_250 = arith.constant 0 : i32
    %dma_wait3A_251 = tpu.memref_slice %arg4[%dma_wait3A_250, %add3A_245] : memref<1x4195840xf32, #tpu.memory_space<hbm>> -> memref<1x49152xf32, #tpu.memory_space<hbm>>
    %dma_wait3A_252 = tpu.memref_slice %arg7[%dma_wait3A_246] : memref<4x!tpu.dma_semaphore, #tpu.memory_space<semaphore_mem>> -> memref<1x!tpu.dma_semaphore, #tpu.memory_space<semaphore_mem>>
    %dma_wait3A_253 = tpu.memref_squeeze %dma_wait3A_252 : memref<1x!tpu.dma_semaphore, #tpu.memory_space<semaphore_mem>> -> memref<!tpu.dma_semaphore, #tpu.memory_space<semaphore_mem>>
    %dma_wait3A_254 = arith.constant 0 : i32
    %dma_wait3A_255 = tpu.memref_slice %arg4[%dma_wait3A_254, %add3A_245] : memref<1x4195840xf32, #tpu.memory_space<hbm>> -> memref<1x49152xf32, #tpu.memory_space<hbm>>
    %dma_wait3A_256 = arith.constant 0 : i32
    %dma_wait3A_257 = arith.constant 81920 : i32
    %dma_wait3A_258 = tpu.memref_slice %arg5[%dma_wait3A_256, %dma_wait3A_257] : memref<1x131072xf32, #tpu.memory_space<vmem>> -> memref<1x49152xf32, #tpu.memory_space<vmem>>
    tpu.wait_dma2 semaphore(%dma_wait3A_253 : memref<!tpu.dma_semaphore, #tpu.memory_space<semaphore_mem>>) src(%dma_wait3A_258 : memref<1x49152xf32, #tpu.memory_space<vmem>>) dst(%dma_wait3A_255 : memref<1x49152xf32, #tpu.memory_space<hbm>>)
    %eq3A_259 = arith.constant 0 : i32
    %eq3A_260 = arith.cmpi eq, %add3A, %eq3A_259 : i32
    %convert_element_type3A_261 = arith.extui %eq3A_260 : i1 to i32
    %cond3A_262 = arith.constant 0 : i32
    %cond3A_263 = arith.cmpi ne, %convert_element_type3A_261, %cond3A_262 : i32
    scf.if %cond3A_263 {
      %dma_wait3A_264 = arith.constant 0 : i32
      %dma_wait3A_265 = arith.constant 0 : i32
      %dma_wait3A_266 = tpu.memref_slice %arg5[%dma_wait3A_264, %dma_wait3A_265] : memref<1x131072xf32, #tpu.memory_space<vmem>> -> memref<1x1536xf32, #tpu.memory_space<vmem>>
      %dma_wait3A_267 = arith.constant 0 : i32
      %dma_wait3A_268 = arith.constant 0 : i32
      %dma_wait3A_269 = tpu.memref_slice %arg4[%dma_wait3A_267, %dma_wait3A_268] : memref<1x4195840xf32, #tpu.memory_space<hbm>> -> memref<1x1536xf32, #tpu.memory_space<hbm>>
      %dma_wait3A_270 = arith.constant 0 : i32
      %dma_wait3A_271 = arith.constant 0 : i32
      %dma_wait3A_272 = tpu.memref_slice %arg4[%dma_wait3A_270, %dma_wait3A_271] : memref<1x4195840xf32, #tpu.memory_space<hbm>> -> memref<1x1536xf32, #tpu.memory_space<hbm>>
      %dma_wait3A_273 = arith.constant 0 : i32
      %dma_wait3A_274 = arith.constant 0 : i32
      %dma_wait3A_275 = tpu.memref_slice %arg5[%dma_wait3A_273, %dma_wait3A_274] : memref<1x131072xf32, #tpu.memory_space<vmem>> -> memref<1x1536xf32, #tpu.memory_space<vmem>>
      tpu.wait_dma2 semaphore(%arg9 : memref<!tpu.dma_semaphore, #tpu.memory_space<semaphore_mem>>) src(%dma_wait3A_275 : memref<1x1536xf32, #tpu.memory_space<vmem>>) dst(%dma_wait3A_272 : memref<1x1536xf32, #tpu.memory_space<hbm>>)
    } else {
    }
    return
  }
}

</mosaic_0001>

<sc_bundles>
// kernel: kernel.3.cloned.1.call-start
scs
__scs_entry_jumppad:
0x0: {  	(pc) =	sbr.rel $0x88, $3  }
0x1: {  	(tag) =	ssettag $0x0;
	lr =	simm.s32 $0x1  }
0x2: {  	[smem:$0x3F9F] =	sst lr;
	_ =	strace $0xD0000000  }
0x3: {  	_ = 	snop  }
0x4: {  	_ = 	snop  }
0x5: {  	_ = 	snop  }
0x6: {  	_ = 	snop  }
0x7: {  	_ = 	snop  }
__scs_overlays_trampoline_lowered:
0x8: {  	[smem:$0x3FAE] =	sst s0  }
0x9: {  	[smem:$0x3FAF] =	sst s1  }
0xa: {  	[smem:$0x3FB0] =	sst s2  }
0xb: {  	[smem:$0x3FB1] =	sst s3  }
0xc: {  	[smem:$0x3FB2] =	sst s4  }
0xd: {  	[smem:$0x3FB3] =	sst s5  }
0xe: {  	[smem:$0x3FB4] =	sst s6  }
0xf: {  	[smem:$0x3FB5] =	sst s7  }
0x10: {  	[smem:$0x3FB6] =	sst s8  }
0x11: {  	[smem:$0x3FB7] =	sst s9;
	s0 =	simm.s32 @!p0 $0x0  }
0x12: {  	s1 =	sld [smem:$0x3F9D];
	s0 =	simm.s32 @p0 $0x1  }
0x13: {  	[smem:$0x3FB8] =	sst s0;
	s0 =	simm.s32 @!p1 $0x0  }
0x14: {  	s2 =	sld [smem:$0x3F9C];
	s0 =	simm.s32 @p1 $0x1  }
0x15: {  	[smem:$0x3FB9] =	sst s0;
	s0 =	simm.s32 @!p2 $0x0  }
0x16: {  	s3 =	sld [smem:$0x3FDB];
	s0 =	simm.s32 @p2 $0x1  }
0x17: {  	s4 =	simm.s32 $0x1BF5;
	[smem:$0x3FBB] =	sst s0  }
0x18: {  	s0 =	sld [smem:$0x3F9E];
	_ =	swait.ge [sflag:s4], $0x0  }
0x19: {  	s7 =	sld [smem:$0x3F9F]  }
0x1a: {  	s8 =	sadd.s32 $0xFFFFE003, lr  }
0x1b: {  	s9 =	sadd.s32 $0xFFFFFEF7, lr;
	s5 =	simm.s32 $0xFFFFFFFF;
	p2 =	slt.u32 s8, $0xFFFFF086  }
0x1c: {  	p1 =	slt.u32 s9, $0xF7A;
	s5 =	simm.s32 @!p2 $0x0  }
0x1d: {  	s5 =	simm.s32 @p1 $0x1;
	p0 =	seq.s32 s7, s2  }
0x1e: {  	s7 =	smul.u32 @!p0 $0xF7A, s2;
	p2 =	seq.s32 @!p0 s5, $0x0  }
0x1f: {  	s9 =	smul.u32 $0xF7A, s1;
	s8 =	simm.s32 @!p0 $0x1BF5;
	p2 =	por !p2, p0  }
0x20: {  	[sflag:s8] =	ssyncset.s32 @!p0 $0xFFFFF086;
	s6 =	sadd.s32 @!p0 s3, s7;
	s7 =	simm.s32 @!p0 $0x108  }
0x21: {  	s3 =	sadd.s32 s3, s9;
	s6 =	sadd.s32 @!p0 $0x88, s6;
	s7 =	simm.s32 @p2 $0x1082  }
0x22: {  	[simem:s7], [sflag:s8] =	dma.local @!p0 [hbm:s6], $0xF7A  }
0x23: {  	s9 =	sor.u32 $0xD0000000, s2;
	s6 =	simm.s32 $0x108;
	_ =	swait.ge @!p0 [sflag:s8], $0x0  }
0x24: {  	s3 =	sadd.s32 $0x88, s3;
	s6 =	simm.s32 @!p1 $0x1082;
	[sflag:s4] =	ssyncset.s32 $0xFFFFF086  }
0x25: {  	[simem:s6], [sflag:s4] =	dma.local [hbm:s3], $0xF7A  }
0x26: {  	[smem:$0x3F9F] =	sst s1;
	(tag) =	ssettag s2;
	_ =	strace s9  }
0x27: {  	s1 =	sld [smem:$0x3FAF]  }
0x28: {  	s2 =	sld [smem:$0x3FB0]  }
0x29: {  	s4 =	sld [smem:$0x3FB2]  }
0x2a: {  	p0 =	seq.s32 s5, $0x0;
	s5 =	sld [smem:$0x3FB3]  }
0x2b: {  	s6 =	sld [smem:$0x3FB4]  }
0x2c: {  	s7 =	sld [smem:$0x3FB5]  }
0x2d: {  	s3 =	simm.s32 $0x108;
	s8 =	sld [smem:$0x3FB6]  }
0x2e: {  	s3 =	simm.s32 @!p0 $0x1082;
	s9 =	sld [smem:$0x3FB7]  }
0x2f: {  	lr =	sadd.s32 s0, s3;
	s0 =	sld [smem:$0x3FAE]  }
0x30: {  	s3 =	sld [smem:$0x3FB1]  }
0x31: {  	[smem:$0x3FBA] =	sst s10  }
0x32: {  	s10 =	sld [smem:$0x3FB8];
	_ =	sdelay $0x3  }
0x33: {  	p0 =	seq.s32 s10, $0x1;
	s10 =	sld [smem:$0x3FBA];
	_ =	sdelay $0x3  }
0x34: {  	[smem:$0x3FBA] =	sst s10  }
0x35: {  	s10 =	sld [smem:$0x3FB9];
	_ =	sdelay $0x3  }
0x36: {  	p1 =	seq.s32 s10, $0x1;
	s10 =	sld [smem:$0x3FBA];
	_ =	sdelay $0x3  }
0x37: {  	[smem:$0x3FBA] =	sst s10  }
0x38: {  	s10 =	sld [smem:$0x3FBB]  }
0x39: {  	_ = 	snop;
	(pc) =	sbr.ind lr, $3  }
0x3a: {  	_ = 	snop  }
0x3b: {  	_ = 	snop  }
0x3c: {  	p2 =	seq.s32 s10, $0x1;
	s10 =	sld [smem:$0x3FBA]  }
0x3d: {  	_ =	shalt  }
0x3e: {  	_ =	shalt  }
0x3f: {  	_ =	shalt  }
0x40: {  	_ =	shalt  }
0x41: {  	_ =	shalt  }
0x42: {  	_ =	shalt  }
0x43: {  	_ =	shalt  }
0x44: {  	_ =	shalt  }
0x45: {  	_ =	shalt  }
0x46: {  	_ =	shalt  }
0x47: {  	_ =	shalt  }
0x48: {  	_ =	shalt  }
0x49: {  	_ =	shalt  }
0x4a: {  	_ =	shalt  }
0x4b: {  	_ =	shalt  }
0x4c: {  	_ =	shalt  }
0x4d: {  	_ =	shalt  }
0x4e: {  	_ =	shalt  }
0x4f: {  	_ =	shalt  }
0x50: {  	_ =	shalt  }
0x51: {  	_ =	shalt  }
0x52: {  	_ =	shalt  }
0x53: {  	_ =	shalt  }
0x54: {  	_ =	shalt  }
0x55: {  	_ =	shalt  }
0x56: {  	_ =	shalt  }
0x57: {  	_ =	shalt  }
0x58: {  	_ =	shalt  }
0x59: {  	_ =	shalt  }
0x5a: {  	_ =	shalt  }
0x5b: {  	_ =	shalt  }
0x5c: {  	_ =	shalt  }
0x5d: {  	_ =	shalt  }
0x5e: {  	_ =	shalt  }
0x5f: {  	_ =	shalt  }
0x60: {  	_ =	shalt  }
0x61: {  	_ =	shalt  }
0x62: {  	_ =	shalt  }
0x63: {  	_ =	shalt  }
0x64: {  	_ =	shalt  }
0x65: {  	_ =	shalt  }
0x66: {  	_ =	shalt  }
0x67: {  	_ =	shalt  }
0x68: {  	_ =	shalt  }
0x69: {  	_ =	shalt  }
0x6a: {  	_ =	shalt  }
0x6b: {  	_ =	shalt  }
0x6c: {  	_ =	shalt  }
0x6d: {  	_ =	shalt  }
0x6e: {  	_ =	shalt  }
0x6f: {  	_ =	shalt  }
0x70: {  	_ =	shalt  }
0x71: {  	_ =	shalt  }
0x72: {  	_ =	shalt  }
0x73: {  	_ =	shalt  }
0x74: {  	_ =	shalt  }
0x75: {  	_ =	shalt  }
0x76: {  	_ =	shalt  }
0x77: {  	_ =	shalt  }
0x78: {  	_ =	shalt  }
0x79: {  	_ =	shalt  }
0x7a: {  	_ =	shalt  }
0x7b: {  	_ =	shalt  }
0x7c: {  	_ =	shalt  }
0x7d: {  	_ =	shalt  }
0x7e: {  	_ =	shalt  }
0x7f: {  	_ =	shalt  }
0x80: {  	_ =	shalt  }
0x81: {  	_ =	shalt  }
0x82: {  	_ =	shalt  }
0x83: {  	_ =	shalt  }
0x84: {  	_ =	shalt  }
0x85: {  	_ =	shalt  }
0x86: {  	_ =	shalt  }
0x87: {  	_ =	shalt  }
.Lfunc_end0:
.L_simem_size_0:
called_computation_lowered:
.L_overlay_start_0:
0x88: {  	s2 =	sld [smem:$0x3FD9]  }
0x89: {  	s3 =	sld [smem:$0x3FFE];
	_ =	sdelay $0x1  }
0x8a: {  	s1 =	srdreg.scid  }
0x8b: {  	s0 =	sand.u32 $0x1, s1  }
0x8c: {  	s18 =	sshll.u32 s0, $0xA;
	s2 =	sadd.s32 s3, s2  }
0x8d: {  	s2 =	sadd.s32 s2, s18  }
0x8e: {  	[smem:$0x3FC6] =	sst s2  }
0x8f: {  	_ = 	snop  }
0x90: {  	s2 =	sld [smem:$0x3FC9]  }
0x91: {  	s19 =	sld [smem:$0x3FC8]  }
0x92: {  	s4 =	sld [smem:$0x3FD0];
	(tm) =	ssettm $0x1  }
0x93: {  	s5 =	sld [smem:$0x3FFB];
	_ =	sdelay $0x3  }
0x94: {  	_ =	strace s5  }
0x95: {  	s5 =	sld [smem:$0x3FFC];
	_ =	sdelay $0x3  }
0x96: {  	_ =	strace s5  }
0x97: {  	s5 =	sld [smem:$0x3FFD];
	_ =	sdelay $0x3  }
0x98: {  	_ =	strace s5  }
0x99: {  	_ =	strace $0x8FFFFFFF  }
0x9a: {  	s20 =	sld [smem:$0x3FDB];
	_ =	sdelay $0x1  }
0x9b: {  	s6 =	simm.s32 $_scs_section_size  }
0x9c: {  	s7 =	simm.s32 $_size__tile_overlayer_lowered;
	s8 =	simm.s32 $_tile_overlayer_lowered  }
0x9d: {  	s23 =	simm.s32 $0x1BFF;
	s22 =	sshll.u32 s8, $0x1;
	s5 =	sadd.s32 s6, s20  }
0x9e: {  	s9 =	simm.s32 $0x0;
	s21 =	sshll.u32 s7, $0x1;
	s7 =	sadd.s32 s22, s5  }
0x9f: {  	[timem:s9], [sflag:s23] =	dma.local [hbm:s7], s21  }
0xa0: {  	_ =	swait.ge [sflag:s23], s21  }
0xa1: {  	s6 =	ssub.s32 $0x0, s21;
	[sflag:s23] =	ssyncset.done $0x0  }
0xa2: {  	[sflag:s23] =	ssyncadd.s32 s6;
	_ =	sdelay $0x1  }
0xa3: {  	s24 =	simm.s32 $0x1B8B  }
0xa4: {  	_ =	swait.ge [sflag:s24], $0x1  }
0xa5: {  	[sflag:s24] =	ssyncset.done $0x0  }
0xa6: {  	s25 =	simm.s32 $0x1B8E;
	[sflag:s24] =	ssyncadd.s32 $0xFFFFFFFF  }
0xa7: {  	s26 =	simm.s32 $execute0_lowered;
	[smem:$0x3FD2] =	sst s25  }
0xa8: {  	s6 =	sshll.u32 s26, $0x1;
	_ =	strace $0x80000046;
	[dreg:$0x1] =	wrdreg $0xFFFFFFFF  }
0xa9: {  	s28 =	simm.s32 $_size_execute0_lowered;
	s5 =	sadd.s32 s5, s6;
	[dreg:$0x0] =	wrdreg $0x0  }
0xaa: {  	s6 =	sshll.u32 s28, $0x1;
	[dreg:$0x2] =	wrdreg s5  }
0xab: {  	[dreg:$0x3] =	wrdreg s6  }
0xac: {  	[dreg:$0x4] =	wrdreg $0xC0  }
0xad: {  	_ =	task [dreg:s9], $0x5FFFF  }
0xae: {  	[dreg:$0x1] =	wrdreg $0xFFFFFFFF  }
0xaf: {  	[dreg:$0x0] =	wrdreg $0x60  }
0xb0: {  	[dreg:$0x2] =	wrdreg s2  }
0xb1: {  	[dreg:$0x3] =	wrdreg s19  }
0xb2: {  	[dreg:$0x4] =	wrdreg s4  }
0xb3: {  	[dreg:$0x5] =	wrdreg $0x9  }
0xb4: {  	_ =	task.clear_ibuf [dreg:s9], $0x6FFFF;
	_ =	strace $0x90000046  }
0xb5: {  	s29 =	simm.s32 $0x9;
	_ =	strace $0x80000048  }
0xb6: {  	_ =	swait.ge [sflag:s29], $0x1  }
0xb7: {  	[sflag:s29] =	ssyncadd.s32 $0xFFFFFFFF  }
0xb8: {  	_ =	strace $0x90000048  }
0xb9: {  	_ =	sfence  }
0xba: {  	s30 =	sld [smem:$0x0];
	_ =	sdelay $0x2  }
0xbb: {  	s31 =	sshll.u32 s1, $0xD;
	s1 =	sshrl.u32 s1, $0x2  }
0xbc: {  	s3 =	sand.u32 $0x4000, s31;
	s1 =	sadd.s32 s1, s30  }
0xbd: {  	s0 =	sor.u32 s3, s0;
	s1 =	sshll.u32 s1, $0x11  }
0xbe: {  	s0 =	sor.u32 s1, s0  }
0xbf: {  	s0 =	sadd.s32 $0x8F2B, s0  }
0xc0: {  	[sflag:s0] =	ssyncadd.remote.s32 $0x1  }
0xc1: {  	_ =	sfence.sel $0xFFFF  }
0xc2: {  	[dreg:$0x0] =	wrdreg $0xFFFFFFFF;
	(pc) =	sbr.abs _section_cstart, $3  }
0xc3: {  	[dreg:$0x1] =	wrdreg $0xFFFFFFFF  }
0xc4: {  	_ =	task.clear_ibuf [dreg:s9], $0x2FFFF;
	_ =	strace $0x9FFFFFFF  }
0xc5: {  	(tm) =	ssettm $0x7FFFFFFF  }
tec
execute0_lowered:
.L_overlay_start_1:
0x0: {  	(tag) =	ssettag $0x1  }
0x1: {  	s4 =	rddreg [dreg:$0x0]  }
0x2: {  	s1 =	srdreg.scid;
	s0 =	stileid.u32  }
0x3: {  	s23 =	rddreg [dreg:$0x1];
	s29 =	sand.u32 $0x1, s1;
	s5 =	sshll.u32 s0, $0x1  }
0x4: {  	s2 =	rddreg [dreg:$0x2];
	s3 =	simm.s32 $0x0;
	s20 =	sor.u32 s29, s5  }
0x5: {  	[smem:$0x7FF] =	sst s3;
	s12 =	sshll.u32 s20, $0xE  }
0x6: {  	s1 =	rddreg [dreg:$0x3];
	_ =	strace $0x80000047;
	s4 =	sadd.s32 s4, s12  }
0x7: {  	[tilespmem:s3], [sflag:$0x1] =	stream.linear.gather [hbm4b:s4+s3], $0x2000, $0x38;
	v63 =	vld [tilespmem:$0x0]  }
0x8: {  	s6 =	simm.s32 $0x2000;
	s5 =	sadd.s32 $0x400, s4  }
0x9: {  	[tilespmem:s6], [sflag:$0x2] =	stream.linear.gather [hbm4b:s5+s3], $0x6000, $0x38;
	v63 =	vld [tilespmem:$0x0]  }
0xa: {  	s8 =	simm.s32 $0x8000;
	s7 =	sadd.s32 $0x1000, s4  }
0xb: {  	[tilespmem:s8], [sflag:$0x3] =	stream.linear.gather [hbm4b:s7+s3], $0xC000, $0x38;
	v63 =	vld [tilespmem:$0x0]  }
0xc: {  	s10 =	simm.s32 $0x14000;
	s11 =	simm.s32 $0x1;
	s9 =	sadd.s32 $0x2800, s4  }
0xd: {  	[tilespmem:s10], [sflag:$0x4] =	stream.linear.gather [hbm4b:s9+s3], $0xC000, $0x38;
	v63 =	vld [tilespmem:$0x0]  }
0xe: {  	_ =	swait.ge [sflag:s11], $0x2000  }
0xf: {  	s18 =	sadd.s32 s12, s2;
	[sflag:s11] =	ssyncset.done $0x0  }
0x10: {  	s13 =	simm.s32 $0x2;
	s12 =	sadd.s32 $0xC0, s18;
	[sflag:s11] =	ssyncadd.s32 $0xFFFFE000  }
0x11: {  	[hbm4b:s12+s3] =	stream.linear.scatter [tilespmem:s3], [sflag:$0x5], $0x2000, $0x38;
	v63 =	vld [tilespmem:$0x0]  }
0x12: {  	_ =	swait.ge [sflag:s13], $0x6000  }
0x13: {  	[sflag:s13] =	ssyncset.done $0x0  }
0x14: {  	s15 =	simm.s32 $0x3;
	s14 =	sadd.s32 $0x4C0, s18;
	[sflag:s13] =	ssyncadd.s32 $0xFFFFA000  }
0x15: {  	[hbm4b:s14+s3] =	stream.linear.scatter [tilespmem:s6], [sflag:$0x6], $0x6000, $0x38;
	v63 =	vld [tilespmem:$0x0]  }
0x16: {  	_ =	swait.ge [sflag:s15], $0xC000  }
0x17: {  	[sflag:s15] =	ssyncset.done $0x0  }
0x18: {  	s17 =	simm.s32 $0x4;
	s16 =	sadd.s32 $0x10C0, s18;
	[sflag:s15] =	ssyncadd.s32 $0xFFFF4000  }
0x19: {  	[hbm4b:s16+s3] =	stream.linear.scatter [tilespmem:s8], [sflag:$0x7], $0xC000, $0x38;
	v63 =	vld [tilespmem:$0x0]  }
0x1a: {  	_ =	swait.ge [sflag:s17], $0xC000  }
0x1b: {  	[sflag:s17] =	ssyncset.done $0x0  }
0x1c: {  	s19 =	simm.s32 $0x5;
	s18 =	sadd.s32 $0x28C0, s18;
	[sflag:s17] =	ssyncadd.s32 $0xFFFF4000  }
0x1d: {  	[hbm4b:s18+s3] =	stream.linear.scatter [tilespmem:s10], [sflag:$0x8], $0xC000, $0x38;
	v63 =	vld [tilespmem:$0x0]  }
0x1e: {  	_ =	swait.ge [sflag:s19], $0x2000  }
0x1f: {  	p0 =	sne.s32 s20, $0x0;
	[sflag:s19] =	ssyncset.done $0x0  }
0x20: {  	s20 =	simm.s32 @p0 $0x6;
	[sflag:s19] =	ssyncadd.s32 $0xFFFFE000  }
0x21: {  	_ =	swait.ge @p0 [sflag:s20], $0x6000  }
0x22: {  	[sflag:s20] =	ssyncset.done @p0 $0x0  }
0x23: {  	s21 =	simm.s32 @p0 $0x7;
	[sflag:s20] =	ssyncadd.s32 @p0 $0xFFFFA000  }
0x24: {  	_ =	swait.ge @p0 [sflag:s21], $0xC000  }
0x25: {  	[sflag:s21] =	ssyncset.done @p0 $0x0  }
0x26: {  	s22 =	simm.s32 @p0 $0x8;
	[sflag:s21] =	ssyncadd.s32 @p0 $0xFFFF4000  }
0x27: {  	_ =	swait.ge @p0 [sflag:s22], $0xC000  }
0x28: {  	s23 =	sadd.s32 $0x80000, s23;
	[sflag:s22] =	ssyncset.done @p0 $0x0  }
0x29: {  	s24 =	simm.s32 @!p0 $0x0;
	s25 =	simm.s32 @!p0 $0x9;
	[sflag:s22] =	ssyncadd.s32 @p0 $0xFFFF4000  }
0x2a: {  	[tilespmem:s24], [sflag:$0x9] =	stream.linear.gather @!p0 [hbm4b:s23+s24], $0x600, $0x38;
	v63 =	vld [tilespmem:$0x0]  }
0x2b: {  	_ =	swait.ge @!p0 [sflag:s25], $0x600  }
0x2c: {  	[sflag:s25] =	ssyncset.done @!p0 $0x0  }
0x2d: {  	s26 =	simm.s32 @!p0 $0x6;
	[sflag:s25] =	ssyncadd.s32 @!p0 $0xFFFFFA00  }
0x2e: {  	[hbm4b:s2+s24] =	stream.linear.scatter @!p0 [tilespmem:s24], [sflag:$0xA], $0x600, $0x38;
	v63 =	vld [tilespmem:$0x0]  }
0x2f: {  	s30 =	ssub.s32 $0x2, s29;
	_ =	swait.ge @!p0 [sflag:s26], $0x6000  }
0x30: {  	s31 =	sshrl.u32 s30, $0x1;
	[sflag:s26] =	ssyncset.done @!p0 $0x0  }
0x31: {  	s28 =	simm.s32 @!p0 $0x7;
	s30 =	ssub.s32 s30, s31;
	[sflag:s26] =	ssyncadd.s32 @!p0 $0xFFFFA000  }
0x32: {  	s30 =	smax.u32 s30, $0x1;
	_ =	swait.ge @!p0 [sflag:s28], $0xC000  }
0x33: {  	s31 =	sadd.s32 $0xFFFFFFFF, s30;
	[sflag:s28] =	ssyncset.done @!p0 $0x0  }
0x34: {  	s29 =	simm.s32 @!p0 $0x8;
	p1 =	sne.s32 s31, $0x0;
	[sflag:s28] =	ssyncadd.s32 @!p0 $0xFFFF4000  }
.Ltmp0:
0x35: {  	_ =	swait.ge @!p0 [sflag:s29], $0xC000;
	(pc) =	sbr.rel @!p1 .LBB2_2-.Ltmp0, $4  }
0x36: {  	[sflag:s29] =	ssyncset.done @!p0 $0x0  }
0x37: {  	s30 =	simm.s32 @!p0 $0xA;
	[sflag:s29] =	ssyncadd.s32 @!p0 $0xFFFF4000  }
0x38: {  	_ =	swait.ge @!p0 [sflag:s30], $0x600  }
0x39: {  	[sflag:s30] =	ssyncset.done @!p0 $0x0  }
.LBB2_1:
0x3a: {  	s31 =	sadd.s32 $0xFFFFFFFF, s31;
	[sflag:s30] =	ssyncadd.s32 @!p0 $0xFFFFFA00  }
0x3b: {  	[tilespmem:s3], [sflag:$0x1] =	stream.linear.gather [hbm4b:s4+s3], $0x2000, $0x38;
	v63 =	vld [tilespmem:$0x0]  }
0x3c: {  	p1 =	sne.s32 s31, $0x0  }
0x3d: {  	[tilespmem:s6], [sflag:$0x2] =	stream.linear.gather [hbm4b:s5+s3], $0x6000, $0x38;
	v63 =	vld [tilespmem:$0x0]  }
0x3e: {  	_ = 	snop  }
0x3f: {  	[tilespmem:s8], [sflag:$0x3] =	stream.linear.gather [hbm4b:s7+s3], $0xC000, $0x38;
	v63 =	vld [tilespmem:$0x0]  }
0x40: {  	_ = 	snop  }
0x41: {  	[tilespmem:s10], [sflag:$0x4] =	stream.linear.gather [hbm4b:s9+s3], $0xC000, $0x38;
	v63 =	vld [tilespmem:$0x0]  }
0x42: {  	_ =	swait.ge [sflag:s11], $0x2000  }
0x43: {  	[sflag:s11] =	ssyncset.done $0x0  }
0x44: {  	[sflag:s11] =	ssyncadd.s32 $0xFFFFE000  }
0x45: {  	[hbm4b:s12+s3] =	stream.linear.scatter [tilespmem:s3], [sflag:$0x5], $0x2000, $0x38;
	v63 =	vld [tilespmem:$0x0]  }
0x46: {  	_ =	swait.ge [sflag:s13], $0x6000  }
0x47: {  	[sflag:s13] =	ssyncset.done $0x0  }
0x48: {  	[sflag:s13] =	ssyncadd.s32 $0xFFFFA000  }
0x49: {  	[hbm4b:s14+s3] =	stream.linear.scatter [tilespmem:s6], [sflag:$0x6], $0x6000, $0x38;
	v63 =	vld [tilespmem:$0x0]  }
0x4a: {  	_ =	swait.ge [sflag:s15], $0xC000  }
0x4b: {  	[sflag:s15] =	ssyncset.done $0x0  }
0x4c: {  	[sflag:s15] =	ssyncadd.s32 $0xFFFF4000  }
0x4d: {  	[hbm4b:s16+s3] =	stream.linear.scatter [tilespmem:s8], [sflag:$0x7], $0xC000, $0x38;
	v63 =	vld [tilespmem:$0x0]  }
0x4e: {  	_ =	swait.ge [sflag:s17], $0xC000  }
0x4f: {  	[sflag:s17] =	ssyncset.done $0x0  }
0x50: {  	[sflag:s17] =	ssyncadd.s32 $0xFFFF4000  }
0x51: {  	[hbm4b:s18+s3] =	stream.linear.scatter [tilespmem:s10], [sflag:$0x8], $0xC000, $0x38;
	v63 =	vld [tilespmem:$0x0]  }
0x52: {  	_ =	swait.ge [sflag:s19], $0x2000  }
0x53: {  	[sflag:s19] =	ssyncset.done $0x0  }
0x54: {  	[sflag:s19] =	ssyncadd.s32 $0xFFFFE000  }
0x55: {  	_ =	swait.ge @p0 [sflag:s20], $0x6000  }
0x56: {  	[sflag:s20] =	ssyncset.done @p0 $0x0  }
0x57: {  	[sflag:s20] =	ssyncadd.s32 @p0 $0xFFFFA000  }
0x58: {  	_ =	swait.ge @p0 [sflag:s21], $0xC000  }
0x59: {  	[sflag:s21] =	ssyncset.done @p0 $0x0  }
0x5a: {  	[sflag:s21] =	ssyncadd.s32 @p0 $0xFFFF4000  }
0x5b: {  	_ =	swait.ge @p0 [sflag:s22], $0xC000  }
0x5c: {  	[sflag:s22] =	ssyncset.done @p0 $0x0  }
0x5d: {  	[sflag:s22] =	ssyncadd.s32 @p0 $0xFFFF4000  }
0x5e: {  	[tilespmem:s24], [sflag:$0x9] =	stream.linear.gather @!p0 [hbm4b:s23+s24], $0x600, $0x38;
	v63 =	vld [tilespmem:$0x0]  }
0x5f: {  	_ =	swait.ge @!p0 [sflag:s25], $0x600  }
0x60: {  	[sflag:s25] =	ssyncset.done @!p0 $0x0  }
0x61: {  	[sflag:s25] =	ssyncadd.s32 @!p0 $0xFFFFFA00  }
0x62: {  	[hbm4b:s2+s24] =	stream.linear.scatter @!p0 [tilespmem:s24], [sflag:$0xA], $0x600, $0x38;
	v63 =	vld [tilespmem:$0x0]  }
0x63: {  	_ =	swait.ge @!p0 [sflag:s26], $0x6000  }
0x64: {  	[sflag:s26] =	ssyncset.done @!p0 $0x0  }
0x65: {  	[sflag:s26] =	ssyncadd.s32 @!p0 $0xFFFFA000  }
0x66: {  	_ =	swait.ge @!p0 [sflag:s28], $0xC000  }
0x67: {  	[sflag:s28] =	ssyncset.done @!p0 $0x0  }
0x68: {  	[sflag:s28] =	ssyncadd.s32 @!p0 $0xFFFF4000  }
.Ltmp1:
0x69: {  	_ =	swait.ge @!p0 [sflag:s29], $0xC000;
	(pc) =	sbr.rel @p1 .LBB2_1-.Ltmp1, $4  }
0x6a: {  	[sflag:s29] =	ssyncset.done @!p0 $0x0  }
0x6b: {  	[sflag:s29] =	ssyncadd.s32 @!p0 $0xFFFF4000  }
0x6c: {  	_ =	swait.ge @!p0 [sflag:s30], $0x600  }
0x6d: {  	[sflag:s30] =	ssyncset.done @!p0 $0x0  }
.LBB2_2:
0x6e: {  	[sflag:s30] =	ssyncadd.s32 @!p0 $0xFFFFFA00  }
0x6f: {  	_ =	sfence.sel $0x180000  }
0x70: {  	[bflag:$0x0] =	sbarrier.arrive $0xFFFF  }
0x71: {  	p0 =	sne.s32 s0, $0x0;
	_ =	strace $0x90000047  }
0x72: {  	s0 =	sadd.s32 @!p0 $0x100000, s1;
	[bflag:$0x2] =	sbarrier.arrive $0xFFFF  }
0x73: {  	[sflag:s0] =	ssyncadd.tile.s32 @!p0 $0x1;
	_ =	shalt  }
.Lfunc_end2:
_tile_overlayer_lowered:
.L_overlay_start_2:
0x74: {  	(tag) =	ssettag $0x2  }
0x75: {  	s0 =	rddreg [dreg:$0x0];
	s2 =	stileid.u32  }
0x76: {  	s1 =	rddreg [dreg:$0x1];
	p0 =	sne.s32 s2, $0x0  }
0x77: {  	s3 =	rddreg [dreg:$0x2];
	[bflag:$0x3] =	sbarrier.arrive $0xFFFF;
	s2 =	simm.s32 @!p0 $0x1C0B  }
0x78: {  	[timem:s3], [sflag:s2] =	dma.local @!p0 [hbm:s0], s1  }
0x79: {  	s0 =	simm.s32 @!p0 $0xB  }
0x7a: {  	_ =	swait.ge @!p0 [sflag:s0], s1  }
0x7b: {  	s1 =	ssub.s32 @!p0 $0x0, s1;
	[sflag:s0] =	ssyncset.done @!p0 $0x0  }
0x7c: {  	[sflag:s0] =	ssyncadd.s32 @!p0 s1  }
0x7d: {  	[bflag:$0x3] =	sbarrier.arrive $0xFFFF  }
0x7e: {  	_ =	shalt  }

</sc_bundles>
